<compile_context>
chip_gen: v7x
topology: tpu7x:2x2x1
jax: 0.10.2.dev20260603
libtpu: 0.0.44.dev20260713+nightly
codegen_flags: <defaults>
</compile_context>

<pallas_src>
import functools

import jax
import jax.numpy as jnp
from jax import lax
from jax._src.config import enable_x64 as _enable_x64
from jax.experimental import pallas as pl
from jax.experimental.pallas import tpu as pltpu
from jax.experimental.pallas import tpu_sc as plsc


def _sc_compiler_params():
    kw = {"use_tc_tiling_on_sc": False}
    if "needs_layout_passes" in pltpu.CompilerParams.__dataclass_fields__:
        kw["needs_layout_passes"] = False
    return pltpu.CompilerParams(**kw)


D = 64
W = 16
CW = 18
NC, NS = 2, 16
NW = NC * NS
CHUNK = 128


def _dequant_lookup(idx2d, ctab):
    n_rows = idx2d.shape[0] * idx2d.shape[1]
    rows_per_w = n_rows // NW
    chunks_per_w = rows_per_w // CHUNK

    mesh = plsc.VectorSubcoreMesh(core_axis_name="c", subcore_axis_name="s")

    @functools.partial(
        pl.kernel,
        out_type=jax.ShapeDtypeStruct((n_rows, D), jnp.float32),
        mesh=mesh,
        compiler_params=_sc_compiler_params(),
        scratch_types=[
            pltpu.VMEM((chunks_per_w, CHUNK), jnp.int32),
            pltpu.VMEM((CHUNK, CW), jnp.int32),
            pltpu.VMEM((CHUNK, D), jnp.float32),
            pltpu.SemaphoreType.DMA,
        ],
    )
    def k(idx_hbm, ct_hbm, out_hbm, idx_v, ct_v, o_v, sem):
        i32 = jnp.int32
        wid = lax.axis_index("s") * i32(NC) + lax.axis_index("c")
        base_chunk = wid * i32(chunks_per_w)

        pltpu.sync_copy(idx_hbm.at[pl.ds(base_chunk, chunks_per_w)], idx_v)

        iota = lax.iota(jnp.int32, 16)
        sel = i32(W) + (iota >= i32(8)).astype(jnp.int32)
        col0 = iota * i32(4)

        @pl.loop(0, chunks_per_w)
        def _chunk(j):
            idx_row = idx_v.at[j]
            pltpu.async_copy(ct_hbm.at[idx_row], ct_v, sem).wait()

            @pl.loop(0, CHUNK)
            def _row(r):
                rsplat = jnp.full((16,), r, jnp.int32)
                row32 = ct_v[r, pl.ds(0, 16)]
                svec = plsc.bitcast(
                    plsc.load_gather(ct_v, [rsplat, sel]), jnp.float32
                )
                for kk in range(4):
                    t = (row32 << i32(24 - 8 * kk)) >> i32(24)
                    plsc.store_scatter(
                        o_v, [rsplat, col0 + i32(kk)],
                        t.astype(jnp.float32) * svec,
                    )

            pltpu.sync_copy(
                o_v, out_hbm.at[pl.ds((base_chunk + j) * i32(CHUNK), CHUNK)]
            )

    return k(idx2d, ctab)


def kernel(indices, weight, scales):
    b, l = indices.shape
    v = weight.shape[0]
    idx2d = indices.astype(jnp.int32).reshape(-1, CHUNK)
    with _enable_x64(False):
        w32 = lax.bitcast_convert_type(weight.reshape(v, W, 4), jnp.int32)
        s32 = lax.bitcast_convert_type(scales, jnp.int32)
        ctab = jnp.concatenate([w32, s32], axis=1)
        out = _dequant_lookup(idx2d, ctab)
    return out.reshape(b, l, D)

# --- scband reference (transcript-rebuilt; emitter-appended) ---
"""Pipeline reference for scband-quantized-embedding-51393578664548 (READ-ONLY COPY).

The authoritative reference and input builder live on the scoring server;
editing this copy changes nothing except your own understanding.
"""

import jax, jax.numpy as jnp
import numpy as np

jax.config.update("jax_enable_x64", True)

V = 1000000   # num_embeddings
D = 64        # embedding_dim (bitwidth=8 -> packed width == D)
G = 32        # groupsize
GPR = (D + G - 1) // G  # groups per row = 2
B, L = 4096, 50


def setup_inputs(seed: int = 0) -> dict:
    key = jax.random.key(seed)
    k1, k2, k3 = jax.random.split(key, 3)
    indices = jax.random.randint(k1, (B, L), 0, V, dtype=jnp.int64)
    # int8 quantized weight buffer: [V, D * bitwidth // 8] = [V, D] for bitwidth=8
    weight = jax.random.randint(k2, (V, D), -128, 128, dtype=jnp.int8)
    # per-group scales: [V, groups_per_row], float32
    scales = (jax.random.uniform(k3, (V, GPR), dtype=jnp.float32) * 0.1 + 1e-3)
    return {"indices": indices, "weight": weight, "scales": scales}


def reference(indices, weight, scales):
    # aoti_forward, bitwidth == 8 path
    # scales = self.scales.view(weight.shape[0], -1)
    scales2d = scales.reshape(weight.shape[0], -1)
    # result_weights = F.embedding(indices, weight)  (gather rows)
    result_weights = jnp.take(weight, indices, axis=0)          # [B, L, D], int8
    # result_scales = F.embedding(indices, scales)
    result_scales = jnp.take(scales2d, indices, axis=0)         # [B, L, GPR], float32
    # rw_view: [..., GPR, D//GPR]; rs_view: [..., GPR, 1]
    rw_view = result_weights.reshape(result_weights.shape[:-1] + (scales2d.shape[1], -1)).astype(jnp.float32)
    rs_view = result_scales.reshape(result_scales.shape[:-1] + (scales2d.shape[1], 1))
    r = rw_view * rs_view
    return r.reshape(indices.shape + (-1,))

if __name__ == "__main__":
    import jax
    _d = setup_inputs()
    print(jax.jit(kernel)(*tuple(_d.values())))

</pallas_src>

<mosaic_0001>
#map = affine_map<(d0, d1) -> (0, 0)>
module attributes {stable_mosaic.version = 14 : i64} {
  func.func @k(%arg0: i32, %arg1: i32, %arg2: memref<1600x128xi32, #tpu.memory_space<hbm>>, %arg3: memref<1000000x18xi32, #tpu.memory_space<hbm>>, %arg4: memref<204800x64xf32, #tpu.memory_space<hbm>>, %arg5: memref<50x128xi32, #tpu.memory_space<vmem>>, %arg6: memref<128x18xi32, #tpu.memory_space<vmem>>, %arg7: memref<128x64xf32, #tpu.memory_space<vmem>>, %arg8: memref<!tpu.dma_semaphore, #tpu.memory_space<semaphore_mem>>) attributes {dimension_semantics = [#tpu.dimension_semantics<core_parallel>, #tpu.dimension_semantics<subcore_parallel>], iteration_bounds = array<i64: 2, 16>, scalar_prefetch = 0 : i64, scratch_operands = 4 : i64, tpu.core_type = #tpu.core_type<sc_vector_subcore>, window_params = [{transform_indices = #map}, {transform_indices = #map}, {transform_indices = #map}]} {
    %mul3A = arith.constant 2 : i32
    %mul3A_0 = arith.muli %arg1, %mul3A : i32
    %add3A = arith.addi %mul3A_0, %arg0 : i32
    %mul3A_1 = arith.constant 50 : i32
    %mul3A_2 = arith.muli %add3A, %mul3A_1 : i32
    "tpu.region"() ({
      %run_scoped3A = tpu.sem_alloc : memref<!tpu.dma_semaphore, #tpu.memory_space<semaphore_mem>>
      %dma_start3A = arith.constant 0 : i32
      %dma_start3A_15 = tpu.memref_slice %arg2[%mul3A_2, %dma_start3A] : memref<1600x128xi32, #tpu.memory_space<hbm>> -> memref<50x128xi32, #tpu.memory_space<hbm>>
      %dma_start3A_16 = arith.constant 0 : i32
      %dma_start3A_17 = tpu.memref_slice %arg2[%mul3A_2, %dma_start3A_16] : memref<1600x128xi32, #tpu.memory_space<hbm>> -> memref<50x128xi32, #tpu.memory_space<hbm>>
      tpu.enqueue_dma source(%dma_start3A_17 : memref<50x128xi32, #tpu.memory_space<hbm>>) target(%arg5 : memref<50x128xi32, #tpu.memory_space<vmem>>) target_semaphore(%run_scoped3A : memref<!tpu.dma_semaphore, #tpu.memory_space<semaphore_mem>>)
      %dma_wait3A = arith.constant 0 : i32
      %dma_wait3A_18 = tpu.memref_slice %arg2[%mul3A_2, %dma_wait3A] : memref<1600x128xi32, #tpu.memory_space<hbm>> -> memref<50x128xi32, #tpu.memory_space<hbm>>
      %dma_wait3A_19 = arith.constant 0 : i32
      %dma_wait3A_20 = tpu.memref_slice %arg2[%mul3A_2, %dma_wait3A_19] : memref<1600x128xi32, #tpu.memory_space<hbm>> -> memref<50x128xi32, #tpu.memory_space<hbm>>
      tpu.wait_dma2 semaphore(%run_scoped3A : memref<!tpu.dma_semaphore, #tpu.memory_space<semaphore_mem>>) src(%dma_wait3A_20 : memref<50x128xi32, #tpu.memory_space<hbm>>) dst(%arg5 : memref<50x128xi32, #tpu.memory_space<vmem>>)
      tpu.yield
    }) : () -> ()
    %iota3A = tpu.iota {dimensions = array<i32: 0>} : vector<16xi32>
    %ge3A = arith.constant 8 : i32
    %ge3A_3 = vector.broadcast %ge3A : i32 to vector<16xi32>
    %ge3A_4 = arith.cmpi sge, %iota3A, %ge3A_3 : vector<16xi32>
    %convert_element_type3A = arith.extui %ge3A_4 : vector<16xi1> to vector<16xi32>
    %add3A_5 = arith.constant 16 : i32
    %add3A_6 = vector.broadcast %add3A_5 : i32 to vector<16xi32>
    %add3A_7 = arith.addi %add3A_6, %convert_element_type3A : vector<16xi32>
    %mul3A_8 = arith.constant 4 : i32
    %mul3A_9 = vector.broadcast %mul3A_8 : i32 to vector<16xi32>
    %mul3A_10 = arith.muli %iota3A, %mul3A_9 : vector<16xi32>
    %scan3A = arith.constant 0 : i32
    %scan3A_11 = arith.constant 50 : i32
    %scan3A_12 = arith.addi %scan3A, %scan3A_11 : i32
    %scan3A_13 = arith.constant 1 : i32
    scf.for %scan3A_15 = %scan3A to %scan3A_12 step %scan3A_13  : i32 {
      %mul3A_16 = arith.constant 1 : i32
      %mul3A_17 = arith.muli %scan3A_15, %mul3A_16 : i32
      %add3A_18 = arith.constant 0 : i32
      %add3A_19 = arith.addi %add3A_18, %mul3A_17 : i32
      %dma_start3A = arith.constant 0 : i32
      %dma_start3A_20 = tpu.memref_slice %arg5[%add3A_19, %dma_start3A] : memref<50x128xi32, #tpu.memory_space<vmem>> -> memref<1x128xi32, #tpu.memory_space<vmem>>
      %dma_start3A_21 = tpu.memref_squeeze %dma_start3A_20 : memref<1x128xi32, #tpu.memory_space<vmem>> -> memref<128xi32, #tpu.memory_space<vmem>>
      %dma_start3A_22 = arith.constant 0 : i32
      %dma_start3A_23 = arith.constant 0 : i32
      %dma_start3A_24 = tpu.memref_slice %arg3[%dma_start3A_22, %dma_start3A_23] : memref<1000000x18xi32, #tpu.memory_space<hbm>> -> memref<1000000x18xi32, #tpu.memory_space<hbm>>
      tpu.enqueue_indirect_dma source(%dma_start3A_24 : memref<1000000x18xi32, #tpu.memory_space<hbm>>) target(%arg6 : memref<128x18xi32, #tpu.memory_space<vmem>>) offsets(%dma_start3A_21 : memref<128xi32, #tpu.memory_space<vmem>>) semaphore(%arg8 : memref<!tpu.dma_semaphore, #tpu.memory_space<semaphore_mem>>)
      %dma_wait3A = arith.constant 0 : i32
      %dma_wait3A_25 = tpu.memref_slice %arg5[%add3A_19, %dma_wait3A] : memref<50x128xi32, #tpu.memory_space<vmem>> -> memref<1x128xi32, #tpu.memory_space<vmem>>
      %dma_wait3A_26 = tpu.memref_squeeze %dma_wait3A_25 : memref<1x128xi32, #tpu.memory_space<vmem>> -> memref<128xi32, #tpu.memory_space<vmem>>
      %dma_wait3A_27 = arith.constant 0 : i32
      %dma_wait3A_28 = arith.constant 0 : i32
      %dma_wait3A_29 = tpu.memref_slice %arg3[%dma_wait3A_27, %dma_wait3A_28] : memref<1000000x18xi32, #tpu.memory_space<hbm>> -> memref<1000000x18xi32, #tpu.memory_space<hbm>>
      tpu.wait_indirect_dma semaphore(%arg8 : memref<!tpu.dma_semaphore, #tpu.memory_space<semaphore_mem>>) src(%dma_wait3A_29 : memref<1000000x18xi32, #tpu.memory_space<hbm>>) dst(%arg6 : memref<128x18xi32, #tpu.memory_space<vmem>>)
      %scan3A_30 = arith.constant 0 : i32
      %scan3A_31 = arith.constant 128 : i32
      %scan3A_32 = arith.addi %scan3A_30, %scan3A_31 : i32
      %scan3A_33 = arith.constant 1 : i32
      scf.for %scan3A_38 = %scan3A_30 to %scan3A_32 step %scan3A_33  : i32 {
        %mul3A_39 = arith.constant 1 : i32
        %mul3A_40 = arith.muli %scan3A_38, %mul3A_39 : i32
        %add3A_41 = arith.constant 0 : i32
        %add3A_42 = arith.addi %add3A_41, %mul3A_40 : i32
        %broadcast_in_dim3A = vector.broadcast %add3A_42 : i32 to vector<16xi32>
        %get3A = arith.index_cast %add3A_42 : i32 to index
        %get3A_43 = arith.constant 0 : index
        %get3A_44 = tpu.vector_load %arg6[%get3A, %get3A_43] {strides = array<i32>} : memref<128x18xi32, #tpu.memory_space<vmem>>, vector<16xi32>,
        %gather3A = tpu.vector_load_idx %arg6[%broadcast_in_dim3A, %add3A_7] : memref<128x18xi32, #tpu.memory_space<vmem>>[vector<16xi32>, vector<16xi32>], vector<16xi32>,
        %bitcast3A = vector.bitcast %gather3A : vector<16xi32> to vector<16xf32>
        %shift_left3A = arith.constant 24 : i32
        %shift_left3A_45 = vector.broadcast %shift_left3A : i32 to vector<16xi32>
        %shift_left3A_46 = arith.shli %get3A_44, %shift_left3A_45 : vector<16xi32>
        %shift_right_arithmetic3A = arith.constant 24 : i32
        %shift_right_arithmetic3A_47 = vector.broadcast %shift_right_arithmetic3A : i32 to vector<16xi32>
        %shift_right_arithmetic3A_48 = arith.shrsi %shift_left3A_46, %shift_right_arithmetic3A_47 : vector<16xi32>
        %add3A_49 = arith.constant 0 : i32
        %add3A_50 = vector.broadcast %add3A_49 : i32 to vector<16xi32>
        %add3A_51 = arith.addi %mul3A_10, %add3A_50 : vector<16xi32>
        %convert_element_type3A_52 = arith.sitofp %shift_right_arithmetic3A_48 : vector<16xi32> to vector<16xf32>
        %mul3A_53 = arith.mulf %convert_element_type3A_52, %bitcast3A : vector<16xf32>
        tpu.vector_store_idx %arg7[%broadcast_in_dim3A, %add3A_51], %mul3A_53 : memref<128x64xf32, #tpu.memory_space<vmem>>[vector<16xi32>, vector<16xi32>], vector<16xf32>,
        %shift_left3A_54 = arith.constant 16 : i32
        %shift_left3A_55 = vector.broadcast %shift_left3A_54 : i32 to vector<16xi32>
        %shift_left3A_56 = arith.shli %get3A_44, %shift_left3A_55 : vector<16xi32>
        %shift_right_arithmetic3A_57 = arith.constant 24 : i32
        %shift_right_arithmetic3A_58 = vector.broadcast %shift_right_arithmetic3A_57 : i32 to vector<16xi32>
        %shift_right_arithmetic3A_59 = arith.shrsi %shift_left3A_56, %shift_right_arithmetic3A_58 : vector<16xi32>
        %add3A_60 = arith.constant 1 : i32
        %add3A_61 = vector.broadcast %add3A_60 : i32 to vector<16xi32>
        %add3A_62 = arith.addi %mul3A_10, %add3A_61 : vector<16xi32>
        %convert_element_type3A_63 = arith.sitofp %shift_right_arithmetic3A_59 : vector<16xi32> to vector<16xf32>
        %mul3A_64 = arith.mulf %convert_element_type3A_63, %bitcast3A : vector<16xf32>
        tpu.vector_store_idx %arg7[%broadcast_in_dim3A, %add3A_62], %mul3A_64 : memref<128x64xf32, #tpu.memory_space<vmem>>[vector<16xi32>, vector<16xi32>], vector<16xf32>,
        %shift_left3A_65 = arith.constant 8 : i32
        %shift_left3A_66 = vector.broadcast %shift_left3A_65 : i32 to vector<16xi32>
        %shift_left3A_67 = arith.shli %get3A_44, %shift_left3A_66 : vector<16xi32>
        %shift_right_arithmetic3A_68 = arith.constant 24 : i32
        %shift_right_arithmetic3A_69 = vector.broadcast %shift_right_arithmetic3A_68 : i32 to vector<16xi32>
        %shift_right_arithmetic3A_70 = arith.shrsi %shift_left3A_67, %shift_right_arithmetic3A_69 : vector<16xi32>
        %add3A_71 = arith.constant 2 : i32
        %add3A_72 = vector.broadcast %add3A_71 : i32 to vector<16xi32>
        %add3A_73 = arith.addi %mul3A_10, %add3A_72 : vector<16xi32>
        %convert_element_type3A_74 = arith.sitofp %shift_right_arithmetic3A_70 : vector<16xi32> to vector<16xf32>
        %mul3A_75 = arith.mulf %convert_element_type3A_74, %bitcast3A : vector<16xf32>
        tpu.vector_store_idx %arg7[%broadcast_in_dim3A, %add3A_73], %mul3A_75 : memref<128x64xf32, #tpu.memory_space<vmem>>[vector<16xi32>, vector<16xi32>], vector<16xf32>,
        %shift_left3A_76 = arith.constant 0 : i32
        %shift_left3A_77 = vector.broadcast %shift_left3A_76 : i32 to vector<16xi32>
        %shift_left3A_78 = arith.shli %get3A_44, %shift_left3A_77 : vector<16xi32>
        %shift_right_arithmetic3A_79 = arith.constant 24 : i32
        %shift_right_arithmetic3A_80 = vector.broadcast %shift_right_arithmetic3A_79 : i32 to vector<16xi32>
        %shift_right_arithmetic3A_81 = arith.shrsi %shift_left3A_78, %shift_right_arithmetic3A_80 : vector<16xi32>
        %add3A_82 = arith.constant 3 : i32
        %add3A_83 = vector.broadcast %add3A_82 : i32 to vector<16xi32>
        %add3A_84 = arith.addi %mul3A_10, %add3A_83 : vector<16xi32>
        %convert_element_type3A_85 = arith.sitofp %shift_right_arithmetic3A_81 : vector<16xi32> to vector<16xf32>
        %mul3A_86 = arith.mulf %convert_element_type3A_85, %bitcast3A : vector<16xf32>
        tpu.vector_store_idx %arg7[%broadcast_in_dim3A, %add3A_84], %mul3A_86 : memref<128x64xf32, #tpu.memory_space<vmem>>[vector<16xi32>, vector<16xi32>], vector<16xf32>,
      }
      %scan3A_34 = arith.constant 128 : i32
      %add3A_35 = arith.addi %mul3A_2, %add3A_19 : i32
      %mul3A_36 = arith.constant 128 : i32
      %mul3A_37 = arith.muli %add3A_35, %mul3A_36 : i32
      "tpu.region"() ({
        %run_scoped3A = tpu.sem_alloc : memref<!tpu.dma_semaphore, #tpu.memory_space<semaphore_mem>>
        %dma_start3A_38 = arith.constant 0 : i32
        %dma_start3A_39 = tpu.memref_slice %arg4[%mul3A_37, %dma_start3A_38] : memref<204800x64xf32, #tpu.memory_space<hbm>> -> memref<128x64xf32, #tpu.memory_space<hbm>>
        %dma_start3A_40 = arith.constant 0 : i32
        %dma_start3A_41 = tpu.memref_slice %arg4[%mul3A_37, %dma_start3A_40] : memref<204800x64xf32, #tpu.memory_space<hbm>> -> memref<128x64xf32, #tpu.memory_space<hbm>>
        tpu.enqueue_dma source(%arg7 : memref<128x64xf32, #tpu.memory_space<vmem>>) target(%dma_start3A_41 : memref<128x64xf32, #tpu.memory_space<hbm>>) target_semaphore(%run_scoped3A : memref<!tpu.dma_semaphore, #tpu.memory_space<semaphore_mem>>)
        %dma_wait3A_42 = arith.constant 0 : i32
        %dma_wait3A_43 = tpu.memref_slice %arg4[%mul3A_37, %dma_wait3A_42] : memref<204800x64xf32, #tpu.memory_space<hbm>> -> memref<128x64xf32, #tpu.memory_space<hbm>>
        %dma_wait3A_44 = arith.constant 0 : i32
        %dma_wait3A_45 = tpu.memref_slice %arg4[%mul3A_37, %dma_wait3A_44] : memref<204800x64xf32, #tpu.memory_space<hbm>> -> memref<128x64xf32, #tpu.memory_space<hbm>>
        tpu.wait_dma2 semaphore(%run_scoped3A : memref<!tpu.dma_semaphore, #tpu.memory_space<semaphore_mem>>) src(%arg7 : memref<128x64xf32, #tpu.memory_space<vmem>>) dst(%dma_wait3A_45 : memref<128x64xf32, #tpu.memory_space<hbm>>)
        tpu.yield
      }) : () -> ()
    }
    %scan3A_14 = arith.constant 50 : i32
    return
  }
}

</mosaic_0001>

<sc_bundles>
// kernel: kernel.3.cloned.1.call-start
scs
__scs_entry_jumppad:
0x0: {  	(pc) =	sbr.rel $0x88, $3  }
0x1: {  	(tag) =	ssettag $0x0;
	lr =	simm.s32 $0x1  }
0x2: {  	[smem:$0x3F9E] =	sst lr;
	_ =	strace $0xD0000000  }
0x3: {  	_ = 	snop  }
0x4: {  	_ = 	snop  }
0x5: {  	_ = 	snop  }
0x6: {  	_ = 	snop  }
0x7: {  	_ = 	snop  }
__scs_overlays_trampoline_lowered:
0x8: {  	[smem:$0x3FAD] =	sst s0  }
0x9: {  	[smem:$0x3FAE] =	sst s1  }
0xa: {  	[smem:$0x3FAF] =	sst s2  }
0xb: {  	[smem:$0x3FB0] =	sst s3  }
0xc: {  	[smem:$0x3FB1] =	sst s4  }
0xd: {  	[smem:$0x3FB2] =	sst s5  }
0xe: {  	[smem:$0x3FB3] =	sst s6  }
0xf: {  	[smem:$0x3FB4] =	sst s7  }
0x10: {  	[smem:$0x3FB5] =	sst s8  }
0x11: {  	[smem:$0x3FB6] =	sst s9;
	s0 =	simm.s32 @!p0 $0x0  }
0x12: {  	s1 =	sld [smem:$0x3F9C];
	s0 =	simm.s32 @p0 $0x1  }
0x13: {  	[smem:$0x3FB7] =	sst s0;
	s0 =	simm.s32 @!p1 $0x0  }
0x14: {  	s2 =	sld [smem:$0x3F9B];
	s0 =	simm.s32 @p1 $0x1  }
0x15: {  	[smem:$0x3FB8] =	sst s0;
	s0 =	simm.s32 @!p2 $0x0  }
0x16: {  	s3 =	sld [smem:$0x3FDB];
	s0 =	simm.s32 @p2 $0x1  }
0x17: {  	s4 =	simm.s32 $0x1BF5;
	[smem:$0x3FBA] =	sst s0  }
0x18: {  	s0 =	sld [smem:$0x3F9D];
	_ =	swait.ge [sflag:s4], $0x0  }
0x19: {  	s7 =	sld [smem:$0x3F9E]  }
0x1a: {  	s8 =	sadd.s32 $0xFFFFE003, lr  }
0x1b: {  	s9 =	sadd.s32 $0xFFFFFEF7, lr;
	s5 =	simm.s32 $0xFFFFFFFF;
	p2 =	slt.u32 s8, $0xFFFFF086  }
0x1c: {  	p1 =	slt.u32 s9, $0xF7A;
	s5 =	simm.s32 @!p2 $0x0  }
0x1d: {  	s5 =	simm.s32 @p1 $0x1;
	p0 =	seq.s32 s7, s2  }
0x1e: {  	s7 =	smul.u32 @!p0 $0xF7A, s2;
	p2 =	seq.s32 @!p0 s5, $0x0  }
0x1f: {  	s9 =	smul.u32 $0xF7A, s1;
	s8 =	simm.s32 @!p0 $0x1BF5;
	p2 =	por !p2, p0  }
0x20: {  	[sflag:s8] =	ssyncset.s32 @!p0 $0xFFFFF086;
	s6 =	sadd.s32 @!p0 s3, s7;
	s7 =	simm.s32 @!p0 $0x108  }
0x21: {  	s3 =	sadd.s32 s3, s9;
	s6 =	sadd.s32 @!p0 $0x88, s6;
	s7 =	simm.s32 @p2 $0x1082  }
0x22: {  	[simem:s7], [sflag:s8] =	dma.local @!p0 [hbm:s6], $0xF7A  }
0x23: {  	s9 =	sor.u32 $0xD0000000, s2;
	s6 =	simm.s32 $0x108;
	_ =	swait.ge @!p0 [sflag:s8], $0x0  }
0x24: {  	s3 =	sadd.s32 $0x88, s3;
	s6 =	simm.s32 @!p1 $0x1082;
	[sflag:s4] =	ssyncset.s32 $0xFFFFF086  }
0x25: {  	[simem:s6], [sflag:s4] =	dma.local [hbm:s3], $0xF7A  }
0x26: {  	[smem:$0x3F9E] =	sst s1;
	(tag) =	ssettag s2;
	_ =	strace s9  }
0x27: {  	s1 =	sld [smem:$0x3FAE]  }
0x28: {  	s2 =	sld [smem:$0x3FAF]  }
0x29: {  	s4 =	sld [smem:$0x3FB1]  }
0x2a: {  	p0 =	seq.s32 s5, $0x0;
	s5 =	sld [smem:$0x3FB2]  }
0x2b: {  	s6 =	sld [smem:$0x3FB3]  }
0x2c: {  	s7 =	sld [smem:$0x3FB4]  }
0x2d: {  	s3 =	simm.s32 $0x108;
	s8 =	sld [smem:$0x3FB5]  }
0x2e: {  	s3 =	simm.s32 @!p0 $0x1082;
	s9 =	sld [smem:$0x3FB6]  }
0x2f: {  	lr =	sadd.s32 s0, s3;
	s0 =	sld [smem:$0x3FAD]  }
0x30: {  	s3 =	sld [smem:$0x3FB0]  }
0x31: {  	[smem:$0x3FB9] =	sst s10  }
0x32: {  	s10 =	sld [smem:$0x3FB7];
	_ =	sdelay $0x3  }
0x33: {  	p0 =	seq.s32 s10, $0x1;
	s10 =	sld [smem:$0x3FB9];
	_ =	sdelay $0x3  }
0x34: {  	[smem:$0x3FB9] =	sst s10  }
0x35: {  	s10 =	sld [smem:$0x3FB8];
	_ =	sdelay $0x3  }
0x36: {  	p1 =	seq.s32 s10, $0x1;
	s10 =	sld [smem:$0x3FB9];
	_ =	sdelay $0x3  }
0x37: {  	[smem:$0x3FB9] =	sst s10  }
0x38: {  	s10 =	sld [smem:$0x3FBA]  }
0x39: {  	_ = 	snop;
	(pc) =	sbr.ind lr, $3  }
0x3a: {  	_ = 	snop  }
0x3b: {  	_ = 	snop  }
0x3c: {  	p2 =	seq.s32 s10, $0x1;
	s10 =	sld [smem:$0x3FB9]  }
0x3d: {  	_ =	shalt  }
0x3e: {  	_ =	shalt  }
0x3f: {  	_ =	shalt  }
0x40: {  	_ =	shalt  }
0x41: {  	_ =	shalt  }
0x42: {  	_ =	shalt  }
0x43: {  	_ =	shalt  }
0x44: {  	_ =	shalt  }
0x45: {  	_ =	shalt  }
0x46: {  	_ =	shalt  }
0x47: {  	_ =	shalt  }
0x48: {  	_ =	shalt  }
0x49: {  	_ =	shalt  }
0x4a: {  	_ =	shalt  }
0x4b: {  	_ =	shalt  }
0x4c: {  	_ =	shalt  }
0x4d: {  	_ =	shalt  }
0x4e: {  	_ =	shalt  }
0x4f: {  	_ =	shalt  }
0x50: {  	_ =	shalt  }
0x51: {  	_ =	shalt  }
0x52: {  	_ =	shalt  }
0x53: {  	_ =	shalt  }
0x54: {  	_ =	shalt  }
0x55: {  	_ =	shalt  }
0x56: {  	_ =	shalt  }
0x57: {  	_ =	shalt  }
0x58: {  	_ =	shalt  }
0x59: {  	_ =	shalt  }
0x5a: {  	_ =	shalt  }
0x5b: {  	_ =	shalt  }
0x5c: {  	_ =	shalt  }
0x5d: {  	_ =	shalt  }
0x5e: {  	_ =	shalt  }
0x5f: {  	_ =	shalt  }
0x60: {  	_ =	shalt  }
0x61: {  	_ =	shalt  }
0x62: {  	_ =	shalt  }
0x63: {  	_ =	shalt  }
0x64: {  	_ =	shalt  }
0x65: {  	_ =	shalt  }
0x66: {  	_ =	shalt  }
0x67: {  	_ =	shalt  }
0x68: {  	_ =	shalt  }
0x69: {  	_ =	shalt  }
0x6a: {  	_ =	shalt  }
0x6b: {  	_ =	shalt  }
0x6c: {  	_ =	shalt  }
0x6d: {  	_ =	shalt  }
0x6e: {  	_ =	shalt  }
0x6f: {  	_ =	shalt  }
0x70: {  	_ =	shalt  }
0x71: {  	_ =	shalt  }
0x72: {  	_ =	shalt  }
0x73: {  	_ =	shalt  }
0x74: {  	_ =	shalt  }
0x75: {  	_ =	shalt  }
0x76: {  	_ =	shalt  }
0x77: {  	_ =	shalt  }
0x78: {  	_ =	shalt  }
0x79: {  	_ =	shalt  }
0x7a: {  	_ =	shalt  }
0x7b: {  	_ =	shalt  }
0x7c: {  	_ =	shalt  }
0x7d: {  	_ =	shalt  }
0x7e: {  	_ =	shalt  }
0x7f: {  	_ =	shalt  }
0x80: {  	_ =	shalt  }
0x81: {  	_ =	shalt  }
0x82: {  	_ =	shalt  }
0x83: {  	_ =	shalt  }
0x84: {  	_ =	shalt  }
0x85: {  	_ =	shalt  }
0x86: {  	_ =	shalt  }
0x87: {  	_ =	shalt  }
.Lfunc_end0:
.L_simem_size_0:
called_computation.2_lowered:
.L_overlay_start_0:
0x88: {  	s2 =	sld [smem:$0x3FD9]  }
0x89: {  	s3 =	sld [smem:$0x3FFE];
	_ =	sdelay $0x1  }
0x8a: {  	s1 =	srdreg.scid  }
0x8b: {  	s0 =	sand.u32 $0x1, s1  }
0x8c: {  	s17 =	sshll.u32 s0, $0xA;
	s2 =	sadd.s32 s3, s2  }
0x8d: {  	s2 =	sadd.s32 s2, s17  }
0x8e: {  	[smem:$0x3FC5] =	sst s2  }
0x8f: {  	_ = 	snop  }
0x90: {  	s2 =	sld [smem:$0x3FD0];
	(tm) =	ssettm $0x1  }
0x91: {  	s18 =	sld [smem:$0x3FFB];
	_ =	sdelay $0x3  }
0x92: {  	_ =	strace s18  }
0x93: {  	s3 =	sld [smem:$0x3FFC];
	_ =	sdelay $0x3  }
0x94: {  	_ =	strace s3  }
0x95: {  	s3 =	sld [smem:$0x3FFD];
	_ =	sdelay $0x3  }
0x96: {  	_ =	strace s3  }
0x97: {  	_ =	strace $0x8FFFFFFF  }
0x98: {  	s19 =	sld [smem:$0x3FDB];
	_ =	sdelay $0x1  }
0x99: {  	s4 =	simm.s32 $_scs_section_size  }
0x9a: {  	s5 =	simm.s32 $_size__tile_overlayer_lowered;
	s6 =	simm.s32 $_tile_overlayer_lowered  }
0x9b: {  	s22 =	simm.s32 $0x1BFF;
	s21 =	sshll.u32 s6, $0x1;
	s3 =	sadd.s32 s4, s19  }
0x9c: {  	s7 =	simm.s32 $0x0;
	s20 =	sshll.u32 s5, $0x1;
	s5 =	sadd.s32 s21, s3  }
0x9d: {  	[timem:s7], [sflag:s22] =	dma.local [hbm:s5], s20  }
0x9e: {  	_ =	swait.ge [sflag:s22], s20  }
0x9f: {  	s4 =	ssub.s32 $0x0, s20;
	[sflag:s22] =	ssyncset.done $0x0  }
0xa0: {  	[sflag:s22] =	ssyncadd.s32 s4;
	_ =	sdelay $0x1  }
0xa1: {  	s23 =	simm.s32 $0x1B8B  }
0xa2: {  	_ =	swait.ge [sflag:s23], $0x1  }
0xa3: {  	[sflag:s23] =	ssyncset.done $0x0  }
0xa4: {  	s25 =	simm.s32 $0x1B8E;
	s24 =	sld [smem:$0x3FFE];
	[sflag:s23] =	ssyncadd.s32 $0xFFFFFFFF  }
0xa5: {  	s26 =	simm.s32 $execute0_lowered;
	[smem:$0x3FD2] =	sst s25  }
0xa6: {  	s5 =	sshll.u32 s26, $0x1;
	_ =	strace $0x80000049;
	[dreg:$0x1] =	wrdreg $0xFFFFFFFF  }
0xa7: {  	s28 =	simm.s32 $_size_execute0_lowered;
	s3 =	sadd.s32 s3, s5;
	[dreg:$0x0] =	wrdreg $0x0  }
0xa8: {  	s5 =	sshll.u32 s28, $0x1;
	[dreg:$0x2] =	wrdreg s3  }
0xa9: {  	[dreg:$0x3] =	wrdreg s5  }
0xaa: {  	[dreg:$0x4] =	wrdreg $0xC0  }
0xab: {  	_ =	task [dreg:s7], $0x5FFFF  }
0xac: {  	[dreg:$0x1] =	wrdreg $0xFFFFFFFF  }
0xad: {  	[dreg:$0x0] =	wrdreg $0x60  }
0xae: {  	[dreg:$0x2] =	wrdreg s24  }
0xaf: {  	[dreg:$0x3] =	wrdreg s2  }
0xb0: {  	[dreg:$0x4] =	wrdreg $0x9  }
0xb1: {  	_ =	task.clear_ibuf [dreg:s7], $0x5FFFF;
	_ =	strace $0x90000049  }
0xb2: {  	s29 =	simm.s32 $0x9;
	_ =	strace $0x8000004B  }
0xb3: {  	_ =	swait.ge [sflag:s29], $0x1  }
0xb4: {  	[sflag:s29] =	ssyncadd.s32 $0xFFFFFFFF  }
0xb5: {  	_ =	strace $0x9000004B  }
0xb6: {  	_ =	sfence  }
0xb7: {  	s30 =	sld [smem:$0x0];
	_ =	sdelay $0x2  }
0xb8: {  	s31 =	sshll.u32 s1, $0xD;
	s1 =	sshrl.u32 s1, $0x2  }
0xb9: {  	s3 =	sand.u32 $0x4000, s31;
	s1 =	sadd.s32 s1, s30  }
0xba: {  	s0 =	sor.u32 s3, s0;
	s1 =	sshll.u32 s1, $0x11  }
0xbb: {  	s0 =	sor.u32 s1, s0  }
0xbc: {  	s0 =	sadd.s32 $0x8F2B, s0  }
0xbd: {  	[sflag:s0] =	ssyncadd.remote.s32 $0x1  }
0xbe: {  	_ =	sfence.sel $0xFFFF  }
0xbf: {  	[dreg:$0x0] =	wrdreg $0xFFFFFFFF;
	(pc) =	sbr.abs _section_cstart, $3  }
0xc0: {  	[dreg:$0x1] =	wrdreg $0xFFFFFFFF  }
0xc1: {  	_ =	task.clear_ibuf [dreg:s7], $0x2FFFF;
	_ =	strace $0x9FFFFFFF  }
0xc2: {  	(tm) =	ssettm $0x7FFFFFFF  }
0xc3: {  	_ =	shalt  }
tec
execute0_lowered:
.L_overlay_start_1:
0x0: {  	(tag) =	ssettag $0x1  }
0x1: {  	s4 =	rddreg [dreg:$0x0];
	s1 =	srdreg.scid  }
0x2: {  	s0 =	stileid.u32;
	s2 =	rddreg [dreg:$0x1];
	s3 =	simm.s32 $0x0  }
0x3: {  	s9 =	simm.s32 $0x80;
	s10 =	simm.s32 $0x1;
	s11 =	simm.s32 $0x1900  }
0x4: {  	s12 =	simm.s32 $0x2500;
	s5 =	sand.u32 $0x1, s1;
	s6 =	sshll.u32 s0, $0x1  }
0x5: {  	s13 =	simm.s32 $0x0;
	s6 =	sor.u32 s5, s6;
	s5 =	ssub.s32 $0x2, s5  }
0x6: {  	v0 =	vlaneseq.u32;
	[smem:$0x7FF] =	sst s3;
	s7 =	smul.u32 $0x320, s6;
	s8 =	sshrl.u32 s5, $0x1  }
0x7: {  	s1 =	rddreg [dreg:$0x2];
	v1 =	vshrl.u32 v0, $0x3;
	v0 =	vmul.u32 $0x4, v0;
	_ =	strace $0x8000004A;
	s8 =	ssub.s32 s5, s8  }
0x8: {  	v1 =	vor.u32 $0x10, v1;
	s5 =	smul.u32 $0x32, s6;
	s7 =	sadd.s32 s7, s4;
	s4 =	sadd.s32 $0x6E00, s4  }
0x9: {  	v2 =	vor.u32 $0x1, v0;
	v3 =	vor.u32 $0x2, v0;
	v4 =	vor.u32 $0x3, v0;
	s6 =	sadd.s32 $0xA00, s7;
	s7 =	smax.u32 s8, $0x1;
	s8 =	simm.s32 $0x2  }
.LBB2_1:
0xa: {  	[tilespmem:s3], [sflag:$0x2] =	stream.linear.gather [hbm4b:s6+s3], $0x1900, $0x38;
	[tilespmem:$0x4500] =	vst v63  }
0xb: {  	_ =	swait.ge [sflag:s8], $0x1900  }
0xc: {  	[sflag:s8] =	ssyncset.done $0x0  }
0xd: {  	s14 =	simm.s32 $0x0;
	[sflag:s8] =	ssyncadd.s32 $0xFFFFE700  }
.LBB2_2:
0xe: {  	s15 =	sshll.u32 s14, $0x7  }
0xf: {  	s17 =	simm.s32 $0x0;
	s16 =	sand.u32 $0x3FFFFF80, s15;
	s15 =	simm.s32 $0x1900  }
0x10: {  	v5 =	vmov s17;
	[tilespmem:s15], [sflag:$0x1] =	stream.indirect.gather [hbm4b:s4+s9], $0x12, s16, s9, $0xb8;
	[tilespmem:$0x4500] =	vst v63  }
0x11: {  	v6 =	vmul.u32 $0x18, v5;
	_ =	swait.ge [sflag:s10], $0x900  }
0x12: {  	[sflag:s10] =	ssyncset.done $0x0  }
0x13: {  	v6 =	vadd.s32 v1, v6;
	[sflag:s10] =	ssyncadd.s32 $0xFFFFF700  }
0x14: {  	v7 =	vld [tilespmem:s15+$0x0];
	_ =	sdelay $0x3  }
0x15: {  	v8 =	vld.idx.msk [tilespmem:v6+s11+$0x0], $0xffff  }
0x16: {  	v5 =	vshll.u32 v5, $0x6;
	v9 =	vshll.u32 v7, $0x18  }
0x17: {  	v6 =	vor.u32 v0, v5;
	v9 =	vshra.s32 v9, $0x18  }
0x18: {  	v10 =	vor.u32 v2, v5;
	v11 =	vshll.u32 v7, $0x10;
	v9 =	vcvt.s32.f32 v9  }
0x19: {  	v13 =	vor.u32 v3, v5;
	v12 =	vshll.u32 v7, $0x8;
	v11 =	vshra.s32 v11, $0x18  }
0x1a: {  	s31 =	simm.s32 $0x1;
	v12 =	vshra.s32 v12, $0x18;
	v11 =	vcvt.s32.f32 v11;
	v9 =	vmul.f32 v9, v8  }
0x1b: {  	v14 =	vmov s31;
	v12 =	vcvt.s32.f32 v12  }
0x1c: {  	v7 =	vshra.s32 v7, $0x18;
	v11 =	vmul.f32 v11, v8;
	[tilespmem:v6+s12+$0x0] =	vst.idx.msk $0xffff, v9;
	v6 =	vor.u32 v4, v5  }
0x1d: {  	v15 =	vmul.u32 $0x18, v14;
	v7 =	vcvt.s32.f32 v7;
	v12 =	vmul.f32 v12, v8  }
0x1e: {  	[tilespmem:v10+s12+$0x0] =	vst.idx.msk $0xffff, v11  }
0x1f: {  	s16 =	simm.s32 $0x2;
	v8 =	vmul.f32 v8, v7;
	v7 =	vadd.s32 v1, v15;
	v5 =	vshll.u32 v14, $0x6;
	[tilespmem:v13+s12+$0x0] =	vst.idx.msk $0xffff, v12  }
.LBB2_3:
0x20: {  	p0 =	sne.s32 s16, $0x7F  }
0x21: {  	[tilespmem:v6+s12+$0x0] =	vst.idx.msk $0xffff, v8;
	s15 =	sadd.s32 $0x18, s15;
	s17 =	smov.u32 s16;
	s16 =	sadd.s32 $0x1, s16  }
0x22: {  	v6 =	vld [tilespmem:s15+$0x0];
	_ =	sdelay $0x2  }
0x23: {  	v7 =	vld.idx.msk [tilespmem:v7+s11+$0x0], $0xffff  }
0x24: {  	v8 =	vor.u32 v0, v5;
	v9 =	vor.u32 v2, v5  }
0x25: {  	v10 =	vshll.u32 v6, $0x18;
	v11 =	vshll.u32 v6, $0x10;
	v12 =	vshll.u32 v6, $0x8  }
0x26: {  	v10 =	vshra.s32 v10, $0x18;
	v11 =	vshra.s32 v11, $0x18;
	v12 =	vshra.s32 v12, $0x18  }
0x27: {  	v13 =	vshra.s32 v6, $0x18;
	v10 =	vcvt.s32.f32 v10;
	v11 =	vcvt.s32.f32 v11  }
0x28: {  	v14 =	vor.u32 v3, v5;
	v12 =	vcvt.s32.f32 v12  }
.Ltmp0:
0x29: {  	v6 =	vor.u32 v4, v5;
	v10 =	vmul.f32 v10, v7;
	v11 =	vmul.f32 v11, v7;
	(pc) =	sbr.rel @p0 .LBB2_3-.Ltmp0, $4  }
0x2a: {  	v5 =	vmov s17;
	v13 =	vcvt.s32.f32 v13;
	v12 =	vmul.f32 v12, v7  }
0x2b: {  	v15 =	vmul.u32 $0x18, v5;
	v5 =	vshll.u32 v5, $0x6;
	[tilespmem:v8+s12+$0x0] =	vst.idx.msk $0xffff, v10  }
0x2c: {  	v8 =	vmul.f32 v7, v13;
	[tilespmem:v9+s12+$0x0] =	vst.idx.msk $0xffff, v11  }
0x2d: {  	v7 =	vadd.s32 v1, v15;
	[tilespmem:v14+s12+$0x0] =	vst.idx.msk $0xffff, v12  }
0x2e: {  	_ =	sdelay $0x3  }
0x2f: {  	[tilespmem:v6+s12+$0x0] =	vst.idx.msk $0xffff, v8;
	s15 =	sadd.s32 $0x18, s15  }
0x30: {  	v6 =	vld [tilespmem:s15+$0x0];
	_ =	sdelay $0x3  }
0x31: {  	v7 =	vld.idx.msk [tilespmem:v7+s11+$0x0], $0xffff  }
0x32: {  	v63 =	vor.u32 v0, v5;
	v9 =	vor.u32 v2, v5;
	v10 =	vshll.u32 v6, $0x18  }
0x33: {  	v13 =	vor.u32 v3, v5;
	v11 =	vshll.u32 v6, $0x10;
	v10 =	vshra.s32 v10, $0x18  }
0x34: {  	v12 =	vshll.u32 v6, $0x8;
	v11 =	vshra.s32 v11, $0x18;
	v10 =	vcvt.s32.f32 v10  }
0x35: {  	v5 =	vor.u32 v4, v5;
	v12 =	vshra.s32 v12, $0x18;
	v11 =	vcvt.s32.f32 v11  }
0x36: {  	v6 =	vshra.s32 v6, $0x18;
	v12 =	vcvt.s32.f32 v12;
	v10 =	vmul.f32 v10, v7  }
0x37: {  	v6 =	vcvt.s32.f32 v6;
	v11 =	vmul.f32 v11, v7  }
0x38: {  	v12 =	vmul.f32 v12, v7;
	[tilespmem:v63+s12+$0x0] =	vst.idx.msk $0xffff, v10  }
0x39: {  	s31 =	sadd.s32 s5, s14;
	s14 =	sadd.s32 $0x1, s14;
	v6 =	vmul.f32 v7, v6;
	[tilespmem:v9+s12+$0x0] =	vst.idx.msk $0xffff, v11  }
0x3a: {  	s15 =	sshll.u32 s31, $0xA;
	p0 =	sne.s32 s14, $0x32;
	[tilespmem:v13+s12+$0x0] =	vst.idx.msk $0xffff, v12  }
.Ltmp1:
0x3b: {  	s15 =	sadd.s32 s2, s15;
	[tilespmem:v5+s12+$0x0] =	vst.idx.msk $0xffff, v6;
	(pc) =	sbr.rel @p0 .LBB2_2-.Ltmp1, $4  }
0x3c: {  	[hbm4b:s15+s3] =	stream.linear.scatter [tilespmem:s12], [sflag:$0x2], $0x2000, $0x38;
	[tilespmem:$0x4500] =	vst v63  }
0x3d: {  	_ =	swait.ge [sflag:s8], $0x2000  }
0x3e: {  	[sflag:s8] =	ssyncset.done $0x0  }
0x3f: {  	[sflag:s8] =	ssyncadd.s32 $0xFFFFE000  }
0x40: {  	s13 =	sadd.s32 $0x1, s13  }
0x41: {  	p0 =	sne.s32 s13, s7  }
.Ltmp2:
0x42: {  	_ = 	snop;
	(pc) =	sbr.rel @p0 .LBB2_1-.Ltmp2, $1  }
0x43: {  	_ =	sdelay $0x3  }
0x44: {  	_ =	sfence.sel $0x180000  }
0x45: {  	[bflag:$0x0] =	sbarrier.arrive $0xFFFF  }
0x46: {  	p0 =	sne.s32 s0, $0x0;
	_ =	strace $0x9000004A  }
0x47: {  	s0 =	sadd.s32 @!p0 $0x100000, s1;
	[bflag:$0x2] =	sbarrier.arrive $0xFFFF  }
0x48: {  	[sflag:s0] =	ssyncadd.tile.s32 @!p0 $0x1;
	_ =	shalt  }
.Lfunc_end2:
_tile_overlayer_lowered:
.L_overlay_start_2:
0x49: {  	(tag) =	ssettag $0x2  }
0x4a: {  	s0 =	rddreg [dreg:$0x0];
	s2 =	stileid.u32  }
0x4b: {  	s1 =	rddreg [dreg:$0x1];
	p0 =	sne.s32 s2, $0x0  }
0x4c: {  	s3 =	rddreg [dreg:$0x2];
	[bflag:$0x3] =	sbarrier.arrive $0xFFFF;
	s2 =	simm.s32 @!p0 $0x1C02  }
0x4d: {  	[timem:s3], [sflag:s2] =	dma.local @!p0 [hbm:s0], s1  }
0x4e: {  	s0 =	simm.s32 @!p0 $0x2  }
0x4f: {  	_ =	swait.ge @!p0 [sflag:s0], s1  }
0x50: {  	s1 =	ssub.s32 @!p0 $0x0, s1;
	[sflag:s0] =	ssyncset.done @!p0 $0x0  }
0x51: {  	[sflag:s0] =	ssyncadd.s32 @!p0 s1  }
0x52: {  	[bflag:$0x3] =	sbarrier.arrive $0xFFFF  }
0x53: {  	_ =	shalt  }

// kernel: sparse-core-data-format-call.1.cloned.1.call-start
scs
called_computation.1_lowered:
.L_overlay_start_0:
0x0: {  	s1 =	sld [smem:$0x3FD9]  }
0x1: {  	s2 =	sld [smem:$0x3FFE];
	_ =	sdelay $0x1  }
0x2: {  	s3 =	srdreg.scid  }
0x3: {  	s0 =	sand.u32 $0x1, s3  }
0x4: {  	s17 =	sshll.u32 s0, $0xA;
	s1 =	sadd.s32 s2, s1  }
0x5: {  	s1 =	sadd.s32 s1, s17  }
0x6: {  	[smem:$0x3FC5] =	sst s1  }
0x7: {  	_ = 	snop  }
0x8: {  	(tm) =	ssettm $0x1  }
0x9: {  	s18 =	sld [smem:$0x3FFB];
	_ =	sdelay $0x3  }
0xa: {  	_ =	strace s18  }
0xb: {  	s1 =	sld [smem:$0x3FFC];
	_ =	sdelay $0x3  }
0xc: {  	_ =	strace s1  }
0xd: {  	s1 =	sld [smem:$0x3FFD];
	_ =	sdelay $0x3  }
0xe: {  	_ =	strace s1  }
0xf: {  	_ =	strace $0x8FFFFFFF  }
0x10: {  	s19 =	sld [smem:$0x3FDB];
	_ =	sdelay $0x1  }
0x11: {  	s20 =	simm.s32 $_scs_section_size  }
0x12: {  	s4 =	simm.s32 $_size__tile_overlayer_lowered;
	s5 =	simm.s32 $_tile_overlayer_lowered  }
0x13: {  	s23 =	simm.s32 $0x1BFF;
	s22 =	sshll.u32 s5, $0x1;
	s1 =	sadd.s32 s20, s19  }
0x14: {  	s6 =	simm.s32 $0x0;
	s21 =	sshll.u32 s4, $0x1;
	s4 =	sadd.s32 s22, s1  }
0x15: {  	[timem:s6], [sflag:s23] =	dma.local [hbm:s4], s21  }
0x16: {  	_ =	swait.ge [sflag:s23], s21  }
0x17: {  	s2 =	ssub.s32 $0x0, s21;
	[sflag:s23] =	ssyncset.done $0x0  }
0x18: {  	[sflag:s23] =	ssyncadd.s32 s2;
	_ =	sdelay $0x1  }
0x19: {  	s24 =	simm.s32 $0x1B8B  }
0x1a: {  	_ =	swait.ge [sflag:s24], $0x1  }
0x1b: {  	[sflag:s24] =	ssyncset.done $0x0  }
0x1c: {  	s26 =	simm.s32 $0x1B8E;
	s25 =	sld [smem:$0x3FFE];
	[sflag:s24] =	ssyncadd.s32 $0xFFFFFFFF  }
0x1d: {  	s27 =	simm.s32 $execute0_lowered;
	[smem:$0x3FD2] =	sst s26  }
0x1e: {  	s4 =	sshll.u32 s27, $0x1;
	_ =	strace $0x80000046;
	[dreg:$0x1] =	wrdreg $0xFFFFFFFF  }
0x1f: {  	s28 =	simm.s32 $_size_execute0_lowered;
	s1 =	sadd.s32 s1, s4;
	[dreg:$0x0] =	wrdreg $0x0  }
0x20: {  	s4 =	sshll.u32 s28, $0x1;
	[dreg:$0x2] =	wrdreg s1  }
0x21: {  	[dreg:$0x3] =	wrdreg s4  }
0x22: {  	[dreg:$0x4] =	wrdreg $0xC0  }
0x23: {  	_ =	task [dreg:s6], $0x5FFFF  }
0x24: {  	[dreg:$0x1] =	wrdreg $0xFFFFFFFF  }
0x25: {  	[dreg:$0x0] =	wrdreg $0x60  }
0x26: {  	[dreg:$0x2] =	wrdreg s25  }
0x27: {  	[dreg:$0x3] =	wrdreg $0x9  }
0x28: {  	_ =	task.clear_ibuf [dreg:s6], $0x4FFFF;
	_ =	strace $0x90000046  }
0x29: {  	s29 =	simm.s32 $0x9;
	_ =	strace $0x80000048  }
0x2a: {  	_ =	swait.ge [sflag:s29], $0x1  }
0x2b: {  	[sflag:s29] =	ssyncadd.s32 $0xFFFFFFFF  }
0x2c: {  	_ =	strace $0x90000048  }
0x2d: {  	_ =	sfence  }
0x2e: {  	s30 =	sld [smem:$0x0];
	_ =	sdelay $0x2  }
0x2f: {  	s31 =	sshll.u32 s3, $0xD;
	s3 =	sshrl.u32 s3, $0x2  }
0x30: {  	s2 =	sand.u32 $0x4000, s31;
	s1 =	sadd.s32 s3, s30  }
0x31: {  	s0 =	sor.u32 s2, s0;
	s1 =	sshll.u32 s1, $0x11  }
0x32: {  	s0 =	sor.u32 s1, s0  }
0x33: {  	s0 =	sadd.s32 $0x8F2B, s0  }
0x34: {  	[sflag:s0] =	ssyncadd.remote.s32 $0x1  }
0x35: {  	_ =	sfence.sel $0xFFFF  }
0x36: {  	[dreg:$0x0] =	wrdreg $0xFFFFFFFF;
	(pc) =	sbr.abs _section_cstart, $3  }
0x37: {  	[dreg:$0x1] =	wrdreg $0xFFFFFFFF  }
0x38: {  	_ =	task.clear_ibuf [dreg:s6], $0x2FFFF;
	_ =	strace $0x9FFFFFFF  }
0x39: {  	(tm) =	ssettm $0x7FFFFFFF  }
tec
execute0_lowered:
.L_overlay_start_1:
0x0: {  	(tag) =	ssettag $0x1  }
0x1: {  	s0 =	srdreg.scid;
	s5 =	rddreg [dreg:$0x0];
	s6 =	simm.s32 $0x2  }
0x2: {  	s15 =	simm.s32 $0x0;
	p0 =	por $0x0, $0x0;
	s1 =	sshll.u32 s0, $0x4  }
0x3: {  	s8 =	simm.s32 $0x80;
	s0 =	stileid.u32;
	s1 =	sand.u32 $0x10, s1  }
0x4: {  	s14 =	simm.s32 $0x0;
	s9 =	simm.s32 $0x0;
	s1 =	sor.u32 s0, s1  }
0x5: {  	s10 =	simm.s32 $0x0;
	s12 =	simm.s32 $0x0;
	s2 =	sshll.u32 s1, $0x7  }
.Ltmp0:
0x6: {  	s13 =	simm.s32 $0x0;
	s3 =	ssub.s32 $0xF4200, s2;
	(pc) =	sbr.rel .LBB1_1-.Ltmp0, $4  }
0x7: {  	s1 =	rddreg [dreg:$0x1];
	_ =	strace $0x80000047;
	s4 =	sshrl.u32 s3, $0xC  }
0x8: {  	s11 =	smov.u32 s2;
	s3 =	simm.s32 $0x1;
	s7 =	smul.u32 $0x3, s4  }
0x9: {  	s4 =	sadd.s32 $0x3D1600, s5;
	[sflag:s3] =	ssyncpa.u1 $0x0;
	s5 =	sadd.s32 $0x6ADE00, s5  }
0xa: {  	[sflag:s6] =	ssyncpa.u1 $0x0;
	s6 =	sadd.s32 $0x3, s7;
	s7 =	sadd.s32 $0x4, s7  }
.LBB1_5:
0xb: {  	p1 =	slt.u32 s13, $0x2  }
0xc: {  	s17 =	smov.u32 s15;
	p2 =	sgt.s32 @!p1 s15, $0xF41C0;
	s16 =	sshra.s32 @!p1 s15, $0x1F  }
0xd: {  	p3 =	sgt.s32 @!p1 s14, $0x78;
	s18 =	sshra.s32 @!p1 s14, $0x1F;
	p2 =	por !p2, p1  }
0xe: {  	s15 =	sand.u32 @!p1 s16, s15;
	p3 =	por !p3, p1;
	s16 =	smov.u32 s14  }
0xf: {  	s14 =	sand.u32 @!p1 s18, s14;
	s17 =	simm.s32 @p2 $0xF41C0;
	s16 =	simm.s32 @p3 $0x78  }
0x10: {  	s15 =	ssub.s32 @!p1 s17, s15;
	s14 =	ssub.s32 @!p1 s16, s14  }
0x11: {  	s18 =	smov.u32 s12;
	s16 =	sadd.s32 @!p1 $0xFFF0BE40, s15;
	s17 =	sadd.s32 @!p1 $0xFFFFFF88, s14  }
0x12: {  	s15 =	ssub.s32 @!p1 $0xF4240, s15;
	p2 =	sgt.s32 @!p1 s16, $0x7F;
	p3 =	sgt.s32 @!p1 s17, $0x7  }
0x13: {  	s14 =	ssub.s32 @!p1 $0x80, s14;
	p2 =	por !p2, p1;
	p3 =	por !p3, p1  }
0x14: {  	s16 =	sadd.s32 $0x1000, s11;
	s15 =	simm.s32 @!p2 $0x0;
	s14 =	simm.s32 @!p3 $0x0  }
0x15: {  	p2 =	sgt.s32 s16, $0xF423F;
	s14 =	smul.u32 @!p1 s14, s15;
	s15 =	sadd.s32 $0x8, s12  }
0x16: {  	s18 =	smov.u32 @p2 s15  }
0x17: {  	s16 =	smov.u32 @p2 s2;
	p2 =	sgt.s32 s18, $0x11  }
0x18: {  	s18 =	simm.s32 @p2 $0x0;
	p2 =	sne.s32 s13, s7  }
.Ltmp1:
0x19: {  	p0 =	por !p0, !p0;
	s17 =	simm.s32 @!p1 $0x2;
	(pc) =	sbr.rel @!p2 .LBB1_6-.Ltmp1, $4  }
0x1a: {  	s15 =	smov.u32 s9;
	s9 =	smov.u32 s11;
	s14 =	sand.u32 @!p1 $0x3FFFFFFF, s14  }
0x1b: {  	s11 =	smov.u32 s16;
	_ =	swait.ge @!p1 [sflag:s17], s14;
	s19 =	ssub.s32 @!p1 $0x0, s14  }
0x1c: {  	s14 =	smov.u32 s10;
	s13 =	sadd.s32 $0x1, s13;
	[sflag:s17] =	ssyncset.done @!p1 $0x0  }
0x1d: {  	s10 =	smov.u32 s12;
	s12 =	smov.u32 s18;
	[sflag:s17] =	ssyncadd.s32 @!p1 s19  }
.LBB1_1:
0x1e: {  	p1 =	sge.u32 s13, s6  }
0x1f: {  	s16 =	sshrl.u32 @!p1 s12, $0x3  }
0x20: {  	s17 =	sshll.u32 @!p1 s11, $0x3;
	s16 =	smul.u32 @!p1 $0x7A1400, s16  }
0x21: {  	s18 =	sshll.u32 @!p1 s12, $0x7;
	s17 =	sand.u32 @!p1 $0xFFFFFC00, s17  }
0x22: {  	s16 =	sadd.s32 @!p1 s16, s17;
	s17 =	sand.u32 @!p1 $0x380, s18  }
0x23: {  	s16 =	sor.u32 @!p1 s17, s16  }
0x24: {  	s17 =	smulhi.u32 @!p1 $0x218D6287, s16;
	_ =	sdelay $0x1  }
0x25: {  	s18 =	sand.u32 @!p1 $0x7F, s11;
	s17 =	sshrl.u32 @!p1 s17, $0x11  }
0x26: {  	s16 =	sor.u32 @!p1 s18, s16;
	s18 =	smul.u32 @!p1 $0xAAB, s17  }
0x27: {  	s19 =	smulhi.u32 @!p1 $0x218D6287, s16  }
0x28: {  	s18 =	sshrl.u32 @!p1 s18, $0x10  }
0x29: {  	s19 =	sshrl.u32 @!p1 s19, $0x11;
	s18 =	smul.u32 @!p1 $0x18, s18  }
0x2a: {  	s19 =	smul.u32 @!p1 $0xF4280, s19  }
0x2b: {  	s17 =	ssub.s32 @!p1 s17, s18  }
0x2c: {  	s16 =	ssub.s32 @!p1 s16, s19;
	s17 =	sand.u32 @!p1 $0xFFFF, s17  }
0x2d: {  	s19 =	sshrl.u32 @!p1 s16, $0x3;
	s18 =	sxor.u32 @!p1 $0xFFFFFFFF, s13;
	s17 =	smul.u32 @!p1 $0x1E850, s17  }
0x2e: {  	s19 =	sadd.s32 @!p1 s4, s19;
	s18 =	sshll.u32 @!p1 s18, $0xA  }
0x2f: {  	s16 =	sand.u32 @!p1 $0x7, s16;
	s18 =	sand.u32 @!p1 $0x400, s18;
	s17 =	sadd.s32 @!p1 s17, s19  }
0x30: {  	[tilespmem:s18], [sflag:$0x1] =	stream.linear.gather @!p1 [hbm4b:s17+s16], $0x400, $0x38;
	[tilespmem:$0x1100] =	vst v63  }
0x31: {  	p1 =	seq.s32 s13, $0x0  }
0x32: {  	p2 =	sge.u32 @!p1 s13, s7  }
0x33: {  	p1 =	por p1, p2  }
.Ltmp2:
0x34: {  	_ = 	snop;
	(pc) =	sbr.rel @p1 .LBB1_5-.Ltmp2, $1  }
0x35: {  	_ =	sdelay $0x3  }
0x36: {  	s16 =	simm.s32 $0x1  }
0x37: {  	_ =	swait.ge [sflag:s3], $0x400;
	s16 =	simm.s32 @!p0 $0x0  }
0x38: {  	[sflag:s3] =	ssyncset.done $0x0;
	s17 =	sshll.u32 s16, $0xA  }
0x39: {  	[sflag:s3] =	ssyncadd.s32 $0xFFFFFC00;
	s17 =	sor.u32 $0x40, s17  }
0x3a: {  	s16 =	smul.u32 $0x1200, s16;
	v0 =	vld [tilespmem:s17+$0x30]  }
0x3b: {  	v1 =	vld [tilespmem:s17+$0xFFFFFFD0]  }
0x3c: {  	s16 =	sshrl.u32 s16, $0x2;
	v5 =	vld [tilespmem:s17+$0xFFFFFFE0]  }
0x3d: {  	v6 =	vld [tilespmem:s17+$0xFFFFFFF0];
	s19 =	sor.u32 $0x800, s16  }
0x3e: {  	s31 =	sand.u32 $0x1, s13;
	v4 =	vld [tilespmem:s17+$0x0];
	s18 =	sadd.s32 $0x0, s19  }
0x3f: {  	v3 =	vld [tilespmem:s17+$0x10];
	s16 =	smul.u32 $0x1200, s31;
	[tilespmem:s18+$0x3F0 ss:$0x9] =	vst.msk $0xffff, v0  }
0x40: {  	v2 =	vld [tilespmem:s17+$0x20];
	[tilespmem:s18+$0x90 ss:$0x9] =	vst.msk $0xffff, v1  }
0x41: {  	s16 =	sshrl.u32 s16, $0x2;
	v1 =	vld [tilespmem:s17+$0xFFFFFFC0];
	[tilespmem:s18+$0x120 ss:$0x9] =	vst.msk $0xffff, v5;
	s17 =	sadd.s32 $0x80, s17  }
0x42: {  	s20 =	simm.s32 $0x4;
	s21 =	simm.s32 $0x8;
	s16 =	sor.u32 $0x800, s16;
	[tilespmem:s18+$0x1B0 ss:$0x9] =	vst.msk $0xffff, v6;
	v0 =	vld [tilespmem:s17+$0x30]  }
.LBB1_3:
0x43: {  	p1 =	sne.s32 s21, $0x1C;
	v5 =	vld [tilespmem:s17+$0xFFFFFFD0];
	[tilespmem:s18+$0x240 ss:$0x9] =	vst.msk $0xffff, v4  }
0x44: {  	v6 =	vld [tilespmem:s17+$0xFFFFFFE0];
	[tilespmem:s18+$0x2D0 ss:$0x9] =	vst.msk $0xffff, v3  }
0x45: {  	s22 =	sshra.s32 s20, $0x2;
	s20 =	smov.u32 s21;
	v7 =	vld [tilespmem:s17+$0xFFFFFFF0];
	[tilespmem:s18+$0x360 ss:$0x9] =	vst.msk $0xffff, v2  }
.Ltmp3:
0x46: {  	v4 =	vld [tilespmem:s17+$0x0];
	[tilespmem:s18+$0x0 ss:$0x9] =	vst.msk $0xffff, v1;
	s18 =	sadd.s32 s22, s19;
	(pc) =	sbr.rel @p1 .LBB1_3-.Ltmp3, $4  }
0x47: {  	v3 =	vld [tilespmem:s17+$0x10];
	[tilespmem:s18+$0x3F0 ss:$0x9] =	vst.msk $0xffff, v0  }
0x48: {  	[tilespmem:s18+$0x90 ss:$0x9] =	vst.msk $0xffff, v5;
	v2 =	vld [tilespmem:s17+$0x20]  }
0x49: {  	v1 =	vld [tilespmem:s17+$0xFFFFFFC0];
	[tilespmem:s18+$0x120 ss:$0x9] =	vst.msk $0xffff, v6;
	s17 =	sadd.s32 $0x80, s17  }
0x4a: {  	s21 =	sadd.s32 $0x4, s21;
	v0 =	vld [tilespmem:s17+$0x30];
	[tilespmem:s18+$0x1B0 ss:$0x9] =	vst.msk $0xffff, v7  }
0x4b: {  	s21 =	sshll.u32 s9, $0x7;
	s22 =	sshll.u32 s10, $0x3;
	s20 =	sshra.s32 s20, $0x2  }
0x4c: {  	p1 =	sgt.s32 s9, $0xF41C0;
	s30 =	sshra.s32 s9, $0x1F;
	s25 =	sshra.s32 s10, $0x1F  }
0x4d: {  	v5 =	vld [tilespmem:s17+$0xFFFFFFD0];
	s28 =	sshrl.u32 s10, $0x3;
	s23 =	sand.u32 $0xFFFFFC00, s21;
	s22 =	sand.u32 $0xFFFFFC00, s22  }
0x4e: {  	[tilespmem:s18+$0x240 ss:$0x9] =	vst.msk $0xffff, v4;
	v58 =	vld [tilespmem:s17+$0xFFFFFFE0];
	s21 =	sand.u32 $0x380, s21;
	s19 =	sadd.s32 s20, s19;
	s22 =	sadd.s32 s22, s23  }
0x4f: {  	v59 =	vld [tilespmem:s17+$0xFFFFFFF0];
	[tilespmem:s18+$0x2D0 ss:$0x9] =	vst.msk $0xffff, v3;
	s29 =	sor.u32 s21, s22;
	s21 =	smov.u32 s9;
	s22 =	sand.u32 s30, s9  }
0x50: {  	v60 =	vld [tilespmem:s17+$0x0];
	[tilespmem:s18+$0x360 ss:$0x9] =	vst.msk $0xffff, v2;
	s30 =	sand.u32 $0x7, s10;
	s20 =	sshrl.u32 s29, $0x7;
	s21 =	simm.s32 @!p1 $0xF41C0  }
0x51: {  	v61 =	vld [tilespmem:s17+$0x10];
	[tilespmem:s18+$0x0 ss:$0x9] =	vst.msk $0xffff, v1;
	p1 =	sgt.s32 s10, $0x78;
	s24 =	ssub.s32 s21, s22;
	s21 =	smov.u32 s10  }
0x52: {  	v62 =	vld [tilespmem:s17+$0x20];
	[tilespmem:s19+$0x3F0 ss:$0x9] =	vst.msk $0xffff, v0;
	s31 =	smulhi.u32 $0x218DEF5, s20;
	s22 =	sand.u32 s25, s10;
	s21 =	simm.s32 @!p1 $0x78  }
0x53: {  	v63 =	vld [tilespmem:s17+$0xFFFFFFC0];
	[tilespmem:s19+$0x90 ss:$0x9] =	vst.msk $0xffff, v5;
	s26 =	sadd.s32 $0xFFF0BE40, s24;
	s17 =	ssub.s32 $0xF4240, s24;
	s21 =	ssub.s32 s21, s22  }
0x54: {  	[tilespmem:s19+$0x120 ss:$0x9] =	vst.msk $0xffff, v58;
	s23 =	sshrl.u32 s31, $0xD;
	p1 =	sgt.s32 s26, $0x7F;
	s27 =	sadd.s32 $0xFFFFFF88, s21  }
0x55: {  	[tilespmem:s19+$0x1B0 ss:$0x9] =	vst.msk $0xffff, v59;
	s23 =	smul.u32 $0xF4240, s23;
	s18 =	ssub.s32 $0x80, s21;
	p2 =	sgt.s32 s27, $0x7  }
.Ltmp4:
0x56: {  	[tilespmem:s19+$0x240 ss:$0x9] =	vst.msk $0xffff, v60;
	s17 =	simm.s32 @p1 $0x0;
	s18 =	simm.s32 @p2 $0x0;
	(pc) =	sbr.rel .LBB1_5-.Ltmp4, $4  }
0x57: {  	s29 =	sand.u32 $0xF, s28;
	[tilespmem:s19+$0x2D0 ss:$0x9] =	vst.msk $0xffff, v61;
	s20 =	ssub.s32 s20, s23;
	s17 =	smul.u32 s18, s17  }
0x58: {  	[tilespmem:s19+$0x360 ss:$0x9] =	vst.msk $0xffff, v62;
	s21 =	sshll.u32 s30, $0x12;
	s20 =	sshll.u32 s20, $0x4;
	s18 =	sadd.s32 s5, s29  }
0x59: {  	[tilespmem:s19+$0x0 ss:$0x9] =	vst.msk $0xffff, v63;
	s31 =	sor.u32 $0x8, s21;
	s18 =	sadd.s32 s20, s18;
	s17 =	sand.u32 $0x3FFFFFFF, s17  }
0x5a: {  	[hbm4b:s18+s31] =	stream.strided.scatter [tilespmem:s16], [sflag:$0x2], s17, s8, s31, $0x0;
	[tilespmem:$0x1100] =	vst v63  }
.LBB1_6:
0x5b: {  	_ =	sfence.sel $0x180000  }
0x5c: {  	s2 =	simm.s32 $0x1;
	[bflag:$0x0] =	sbarrier.arrive $0xFFFF  }
0x5d: {  	s31 =	simm.s32 $0x2;
	[sflag:s2] =	ssyncpa.u1 $0x1  }
0x5e: {  	[sflag:s31] =	ssyncpa.u1 $0x1  }
0x5f: {  	p0 =	sne.s32 s0, $0x0;
	_ =	strace $0x90000047  }
0x60: {  	s0 =	sadd.s32 @!p0 $0x100000, s1;
	[bflag:$0x2] =	sbarrier.arrive $0xFFFF  }
0x61: {  	[sflag:s0] =	ssyncadd.tile.s32 @!p0 $0x1;
	_ =	shalt  }
.Lfunc_end1:
_tile_overlayer_lowered:
.L_overlay_start_2:
0x62: {  	(tag) =	ssettag $0x2  }
0x63: {  	s0 =	rddreg [dreg:$0x0];
	s2 =	stileid.u32  }
0x64: {  	s1 =	rddreg [dreg:$0x1];
	p0 =	sne.s32 s2, $0x0  }
0x65: {  	s3 =	rddreg [dreg:$0x2];
	[bflag:$0x3] =	sbarrier.arrive $0xFFFF;
	s2 =	simm.s32 @!p0 $0x1C01  }
0x66: {  	[timem:s3], [sflag:s2] =	dma.local @!p0 [hbm:s0], s1  }
0x67: {  	s0 =	simm.s32 @!p0 $0x1  }
0x68: {  	_ =	swait.ge @!p0 [sflag:s0], s1  }
0x69: {  	s1 =	ssub.s32 @!p0 $0x0, s1;
	[sflag:s0] =	ssyncset.done @!p0 $0x0  }
0x6a: {  	[sflag:s0] =	ssyncadd.s32 @!p0 s1  }
0x6b: {  	[bflag:$0x3] =	sbarrier.arrive $0xFFFF  }
0x6c: {  	_ =	shalt  }

// kernel: sparse-core-data-format-call.cloned.1.call-start
scs
called_computation_lowered:
.L_overlay_start_0:
0x0: {  	s2 =	sld [smem:$0x3FD9]  }
0x1: {  	s3 =	sld [smem:$0x3FFE];
	_ =	sdelay $0x1  }
0x2: {  	s1 =	srdreg.scid  }
0x3: {  	s0 =	sand.u32 $0x1, s1  }
0x4: {  	s18 =	sshll.u32 s0, $0xA;
	s2 =	sadd.s32 s3, s2  }
0x5: {  	s2 =	sadd.s32 s2, s18  }
0x6: {  	[smem:$0x3FC5] =	sst s2  }
0x7: {  	_ = 	snop  }
0x8: {  	s2 =	sld [smem:$0x3FD0];
	(tm) =	ssettm $0x1  }
0x9: {  	s19 =	sld [smem:$0x3FFB];
	_ =	sdelay $0x3  }
0xa: {  	_ =	strace s19  }
0xb: {  	s3 =	sld [smem:$0x3FFC];
	_ =	sdelay $0x3  }
0xc: {  	_ =	strace s3  }
0xd: {  	s3 =	sld [smem:$0x3FFD];
	_ =	sdelay $0x3  }
0xe: {  	_ =	strace s3  }
0xf: {  	_ =	strace $0x8FFFFFFF  }
0x10: {  	s20 =	sld [smem:$0x3FDB];
	_ =	sdelay $0x1  }
0x11: {  	s4 =	simm.s32 $_scs_section_size  }
0x12: {  	s5 =	simm.s32 $_size__tile_overlayer_lowered;
	s6 =	simm.s32 $_tile_overlayer_lowered  }
0x13: {  	s23 =	simm.s32 $0x1BFF;
	s22 =	sshll.u32 s6, $0x1;
	s3 =	sadd.s32 s4, s20  }
0x14: {  	s7 =	simm.s32 $0x0;
	s21 =	sshll.u32 s5, $0x1;
	s5 =	sadd.s32 s22, s3  }
0x15: {  	[timem:s7], [sflag:s23] =	dma.local [hbm:s5], s21  }
0x16: {  	_ =	swait.ge [sflag:s23], s21  }
0x17: {  	s4 =	ssub.s32 $0x0, s21;
	[sflag:s23] =	ssyncset.done $0x0  }
0x18: {  	[sflag:s23] =	ssyncadd.s32 s4;
	_ =	sdelay $0x1  }
0x19: {  	s24 =	simm.s32 $0x1B8B  }
0x1a: {  	_ =	swait.ge [sflag:s24], $0x1  }
0x1b: {  	[sflag:s24] =	ssyncset.done $0x0  }
0x1c: {  	s26 =	simm.s32 $0x1B8E;
	s25 =	sld [smem:$0x3FFE];
	[sflag:s24] =	ssyncadd.s32 $0xFFFFFFFF  }
0x1d: {  	s27 =	simm.s32 $execute0_lowered;
	[smem:$0x3FD2] =	sst s26  }
0x1e: {  	s5 =	sshll.u32 s27, $0x1;
	_ =	strace $0x8000004C;
	[dreg:$0x1] =	wrdreg $0xFFFFFFFF  }
0x1f: {  	s28 =	simm.s32 $_size_execute0_lowered;
	s3 =	sadd.s32 s3, s5;
	[dreg:$0x0] =	wrdreg $0x0  }
0x20: {  	s5 =	sshll.u32 s28, $0x1;
	[dreg:$0x2] =	wrdreg s3  }
0x21: {  	[dreg:$0x3] =	wrdreg s5  }
0x22: {  	[dreg:$0x4] =	wrdreg $0xC0  }
0x23: {  	_ =	task [dreg:s7], $0x5FFFF  }
0x24: {  	[dreg:$0x1] =	wrdreg $0xFFFFFFFF  }
0x25: {  	[dreg:$0x0] =	wrdreg $0x60  }
0x26: {  	[dreg:$0x2] =	wrdreg s25  }
0x27: {  	[dreg:$0x3] =	wrdreg s2  }
0x28: {  	[dreg:$0x4] =	wrdreg $0x9  }
0x29: {  	_ =	task.clear_ibuf [dreg:s7], $0x5FFFF;
	_ =	strace $0x9000004C  }
0x2a: {  	s29 =	simm.s32 $0x9;
	_ =	strace $0x8000004E  }
0x2b: {  	_ =	swait.ge [sflag:s29], $0x1  }
0x2c: {  	[sflag:s29] =	ssyncadd.s32 $0xFFFFFFFF  }
0x2d: {  	_ =	strace $0x9000004E  }
0x2e: {  	_ =	sfence  }
0x2f: {  	s30 =	sld [smem:$0x0];
	_ =	sdelay $0x2  }
0x30: {  	s31 =	sshll.u32 s1, $0xD;
	s1 =	sshrl.u32 s1, $0x2  }
0x31: {  	s3 =	sand.u32 $0x4000, s31;
	s1 =	sadd.s32 s1, s30  }
0x32: {  	s0 =	sor.u32 s3, s0;
	s1 =	sshll.u32 s1, $0x11  }
0x33: {  	s0 =	sor.u32 s1, s0  }
0x34: {  	s0 =	sadd.s32 $0x8F2B, s0  }
0x35: {  	[sflag:s0] =	ssyncadd.remote.s32 $0x1  }
0x36: {  	_ =	sfence.sel $0xFFFF  }
0x37: {  	[dreg:$0x0] =	wrdreg $0xFFFFFFFF;
	(pc) =	sbr.abs _section_cstart, $3  }
0x38: {  	[dreg:$0x1] =	wrdreg $0xFFFFFFFF  }
0x39: {  	_ =	task.clear_ibuf [dreg:s7], $0x2FFFF;
	_ =	strace $0x9FFFFFFF  }
0x3a: {  	(tm) =	ssettm $0x7FFFFFFF  }
0x3b: {  	_ =	shalt  }
tec
execute0_lowered:
.L_overlay_start_1:
0x0: {  	(tag) =	ssettag $0x1  }
0x1: {  	s0 =	srdreg.scid  }
0x2: {  	s1 =	sshll.u32 s0, $0x4  }
0x3: {  	s0 =	stileid.u32;
	s1 =	sand.u32 $0x10, s1  }
0x4: {  	s1 =	sor.u32 s0, s1  }
0x5: {  	s6 =	rddreg [dreg:$0x0];
	s4 =	simm.s32 $0x1;
	s2 =	sshll.u32 s1, $0x7  }
0x6: {  	s7 =	simm.s32 $0x2;
	s12 =	simm.s32 $0x0;
	s1 =	ssub.s32 $0x1000, s2  }
0x7: {  	s8 =	simm.s32 $0x8000;
	s13 =	simm.s32 $0x0;
	s3 =	sand.u32 $0xF80, s1  }
0x8: {  	s9 =	simm.s32 $0x0;
	s5 =	sshrl.u32 s1, $0xC;
	p0 =	sne.s32 s3, $0x0  }
.Ltmp0:
0x9: {  	s1 =	rddreg [dreg:$0x2];
	s4 =	simm.s32 @!p0 $0x0;
	(pc) =	sbr.rel .LBB1_1-.Ltmp0, $4  }
0xa: {  	s11 =	simm.s32 $0x0;
	s3 =	rddreg [dreg:$0x1];
	s5 =	sadd.s32 s4, s5  }
0xb: {  	_ =	strace $0x8000004D;
	s4 =	simm.s32 $0x1;
	s5 =	smul.u32 $0x32, s5  }
0xc: {  	s6 =	sadd.s32 $0xA00, s6;
	s10 =	smov.u32 s2;
	[sflag:s4] =	ssyncpa.u1 $0x0  }
0xd: {  	p0 =	por $0x0, $0x0;
	[sflag:s7] =	ssyncpa.u1 $0x0;
	s7 =	sor.u32 $0x1, s5  }
.LBB1_4:
0xe: {  	s16 =	sshll.u32 s13, $0x3;
	s17 =	sand.u32 $0x78, s13  }
0xf: {  	s30 =	sand.u32 $0x7E00, s13;
	s12 =	sshll.u32 s12, $0xF;
	s16 =	sand.u32 $0xC00, s16  }
0x10: {  	[tilespmem:s15+$0x810 ss:$0x81] =	vst.msk $0xffff, v2;
	s31 =	sand.u32 $0x7, s13;
	s16 =	sor.u32 s17, s16;
	s17 =	sadd.s32 s3, s30  }
0x11: {  	[tilespmem:s15+$0x1020 ss:$0x81] =	vst.msk $0xffff, v0;
	s13 =	sshll.u32 s31, $0x12;
	s12 =	sadd.s32 s12, s17;
	s16 =	sshrl.u32 s16, $0x3  }
0x12: {  	[tilespmem:s15+$0x0 ss:$0x81] =	vst.msk $0xffff, v1;
	s13 =	sor.u32 $0x400, s13;
	s12 =	sadd.s32 s16, s12  }
0x13: {  	[hbm4b:s12+s13] =	stream.strided.scatter [tilespmem:s14], [sflag:$0x2], $0x2000, s8, s13, $0x20;
	[tilespmem:$0x8080] =	vst v63  }
.LBB1_5:
0x14: {  	s14 =	sadd.s32 $0x1, s9  }
0x15: {  	s12 =	sadd.s32 $0x1000, s10;
	s16 =	smov.u32 s10;
	p2 =	sgt.s32 s14, $0x31  }
0x16: {  	s16 =	smov.u32 @p2 s12  }
0x17: {  	s14 =	simm.s32 @p2 $0x0;
	p2 =	sgt.s32 s16, $0xFFF  }
0x18: {  	s16 =	smov.u32 @p2 s2;
	p2 =	sne.s32 s11, s7  }
.Ltmp1:
0x19: {  	p1 =	slt.u32 s11, $0x2;
	(pc) =	sbr.rel @!p2 .LBB1_6-.Ltmp1, $4  }
0x1a: {  	s15 =	simm.s32 @!p1 $0x2  }
0x1b: {  	s13 =	smov.u32 s10;
	p0 =	por !p0, !p0;
	_ =	swait.ge @!p1 [sflag:s15], $0x2000  }
0x1c: {  	s12 =	smov.u32 s9;
	[sflag:s15] =	ssyncset.done @!p1 $0x0;
	s9 =	smov.u32 s14  }
0x1d: {  	s11 =	sadd.s32 $0x1, s11;
	[sflag:s15] =	ssyncadd.s32 @!p1 $0xFFFFE000;
	s10 =	smov.u32 s16  }
.LBB1_1:
0x1e: {  	p1 =	sge.u32 s11, s5  }
0x1f: {  	s14 =	sand.u32 @!p1 $0x1FFFFFF, s9  }
0x20: {  	s15 =	smulhi.u32 @!p1 $0x4924925, s14;
	_ =	sdelay $0x1  }
0x21: {  	s15 =	smul.u32 @!p1 $0x38, s15  }
0x22: {  	s16 =	sxor.u32 @!p1 $0xFFFFFFFF, s11;
	s17 =	smul.u32 @!p1 $0x380, s10  }
0x23: {  	s31 =	sadd.s32 $0xFFFFFFFF, s11;
	s16 =	sshll.u32 @!p1 s16, $0xD;
	s14 =	ssub.s32 @!p1 s14, s15  }
0x24: {  	s15 =	sand.u32 @!p1 $0x2000, s16;
	s16 =	sadd.s32 @!p1 s6, s17;
	s14 =	sshll.u32 @!p1 s14, $0x4  }
0x25: {  	s17 =	simm.s32 @!p1 $0x1C00;
	s14 =	sadd.s32 @!p1 s14, s16;
	s16 =	simm.s32 @!p1 $0x40  }
0x26: {  	[tilespmem:s15], [sflag:$0x1] =	stream.strided.gather @!p1 [hbm4b:s14+s16], $0x2000, s17, s16, $0x38;
	[tilespmem:$0x8080] =	vst v63  }
0x27: {  	p1 =	sge.u32 s31, s5  }
.Ltmp2:
0x28: {  	_ = 	snop;
	(pc) =	sbr.rel @p1 .LBB1_5-.Ltmp2, $1  }
0x29: {  	_ =	sdelay $0x3  }
0x2a: {  	s14 =	simm.s32 $0x1  }
0x2b: {  	_ =	swait.ge [sflag:s4], $0x2000;
	s14 =	simm.s32 @!p0 $0x0  }
0x2c: {  	[sflag:s4] =	ssyncset.done $0x0;
	s15 =	sshll.u32 s14, $0xD  }
0x2d: {  	[sflag:s4] =	ssyncadd.s32 $0xFFFFE000;
	s18 =	sor.u32 $0x20, s15  }
0x2e: {  	s14 =	smul.u32 $0x8100, s14;
	v3 =	vld [tilespmem:s18+$0x10]  }
0x2f: {  	s30 =	sand.u32 $0x1, s11;
	v2 =	vld [tilespmem:s18+$0xFFFFFFF0]  }
0x30: {  	s15 =	smul.u32 $0x8100, s30;
	s14 =	sshrl.u32 s14, $0x2;
	v0 =	vld [tilespmem:s18+$0x0]  }
0x31: {  	v1 =	vld [tilespmem:s18+$0xFFFFFFE0];
	s16 =	sor.u32 $0x4000, s14  }
0x32: {  	s31 =	sshrl.u32 s15, $0x2;
	s15 =	sadd.s32 $0x0, s16  }
0x33: {  	s17 =	simm.s32 $0x4;
	s18 =	sadd.s32 $0x40, s18;
	s14 =	sor.u32 $0x4000, s31;
	[tilespmem:s15+$0x1830 ss:$0x81] =	vst.msk $0xffff, v3  }
.LBB1_3:
0x34: {  	v3 =	vld [tilespmem:s18+$0x10];
	p1 =	sne.s32 s17, $0x1FC;
	[tilespmem:s15+$0x810 ss:$0x81] =	vst.msk $0xffff, v2;
	s19 =	smov.u32 s17;
	s17 =	sadd.s32 $0x4, s17  }
.Ltmp3:
0x35: {  	v2 =	vld [tilespmem:s18+$0xFFFFFFF0];
	[tilespmem:s15+$0x1020 ss:$0x81] =	vst.msk $0xffff, v0;
	(pc) =	sbr.rel @p1 .LBB1_3-.Ltmp3, $4  }
0x36: {  	v0 =	vld [tilespmem:s18+$0x0];
	[tilespmem:s15+$0x0 ss:$0x81] =	vst.msk $0xffff, v1  }
0x37: {  	s15 =	sshra.s32 s19, $0x2;
	v1 =	vld [tilespmem:s18+$0xFFFFFFE0]  }
0x38: {  	s15 =	sadd.s32 s15, s16  }
0x39: {  	s18 =	sadd.s32 $0x40, s18;
	[tilespmem:s15+$0x1830 ss:$0x81] =	vst.msk $0xffff, v3  }
.Ltmp4:
0x3a: {  	_ = 	snop;
	(pc) =	sbr.rel .LBB1_4-.Ltmp4, $1  }
0x3b: {  	_ =	sdelay $0x3  }
.LBB1_6:
0x3c: {  	_ =	sfence.sel $0x180000  }
0x3d: {  	s2 =	simm.s32 $0x1;
	[bflag:$0x0] =	sbarrier.arrive $0xFFFF  }
0x3e: {  	s31 =	simm.s32 $0x2;
	[sflag:s2] =	ssyncpa.u1 $0x1  }
0x3f: {  	[sflag:s31] =	ssyncpa.u1 $0x1  }
0x40: {  	p0 =	sne.s32 s0, $0x0;
	_ =	strace $0x9000004D  }
0x41: {  	s0 =	sadd.s32 @!p0 $0x100000, s1;
	[bflag:$0x2] =	sbarrier.arrive $0xFFFF  }
0x42: {  	[sflag:s0] =	ssyncadd.tile.s32 @!p0 $0x1;
	_ =	shalt  }
.Lfunc_end1:
_tile_overlayer_lowered:
.L_overlay_start_2:
0x43: {  	(tag) =	ssettag $0x2  }
0x44: {  	s0 =	rddreg [dreg:$0x0];
	s2 =	stileid.u32  }
0x45: {  	s1 =	rddreg [dreg:$0x1];
	p0 =	sne.s32 s2, $0x0  }
0x46: {  	s3 =	rddreg [dreg:$0x2];
	[bflag:$0x3] =	sbarrier.arrive $0xFFFF;
	s2 =	simm.s32 @!p0 $0x1C01  }
0x47: {  	[timem:s3], [sflag:s2] =	dma.local @!p0 [hbm:s0], s1  }
0x48: {  	s0 =	simm.s32 @!p0 $0x1  }
0x49: {  	_ =	swait.ge @!p0 [sflag:s0], s1  }
0x4a: {  	s1 =	ssub.s32 @!p0 $0x0, s1;
	[sflag:s0] =	ssyncset.done @!p0 $0x0  }
0x4b: {  	[sflag:s0] =	ssyncadd.s32 @!p0 s1  }
0x4c: {  	[bflag:$0x3] =	sbarrier.arrive $0xFFFF  }
0x4d: {  	_ =	shalt  }

</sc_bundles>
